<compile_context>
chip_gen: v7x
topology: tpu7x:2x2x1
jax: 0.10.2.dev20260603
libtpu: 0.0.44.dev20260713+nightly
codegen_flags: <defaults>
</compile_context>

<pallas_src>
import functools

import jax
import jax.numpy as jnp
from jax import lax
from jax.experimental import pallas as pl
from jax.experimental.pallas import tpu as pltpu
from jax.experimental.pallas import tpu_sc as plsc

B, L, T = 1024, 200, 256
WE_DIM = 300
WE_PAD = 384
OUT_DIM = 572
LPAD = 208



V_ROWS = 100000
PAD_BLK = 4000


def _tc_pad_table(word_table):
    def body(in_ref, out_ref):
        z = jnp.zeros((PAD_BLK, WE_PAD - WE_DIM), jnp.float32)
        out_ref[...] = jnp.concatenate([in_ref[...], z], axis=-1)

    return pl.pallas_call(
        body,
        grid=(V_ROWS // PAD_BLK,),
        in_specs=[pl.BlockSpec((PAD_BLK, WE_DIM), lambda i: (i, 0))],
        out_specs=pl.BlockSpec((PAD_BLK, WE_PAD), lambda i: (i, 0)),
        out_shape=jax.ShapeDtypeStruct((V_ROWS, WE_PAD), jnp.float32),
    )(word_table)




def _sc_word_gather(we_ids, we_off, word_table):
    info = plsc.get_sparse_core_info()
    nc, ns = info.num_cores, info.num_subcores
    nw = nc * ns
    b_per_w = B // nw

    mesh = plsc.VectorSubcoreMesh(core_axis_name="c", subcore_axis_name="s")

    @functools.partial(
        pl.kernel,
        mesh=mesh,
        out_type=jax.ShapeDtypeStruct((B * L, WE_PAD), jnp.float32),
        scratch_types=[
            pltpu.VMEM((T,), jnp.int32),
            pltpu.VMEM((LPAD,), jnp.int32),
            pltpu.VMEM((96,), jnp.int32),
            pltpu.VMEM((112,), jnp.int32),
            pltpu.VMEM((96, WE_PAD), jnp.float32),
            pltpu.VMEM((112, WE_PAD), jnp.float32),
            pltpu.SemaphoreType.DMA,
            pltpu.SemaphoreType.DMA,
            pltpu.SemaphoreType.DMA,
        ],
        compiler_params=pltpu.CompilerParams(needs_layout_passes=False,
                                             use_tc_tiling_on_sc=False),
    )
    def k(ids_hbm, off_hbm, table_hbm, out_hbm,
          ids_v, off_v, wa, wb, rowsa, rowsb, sga, sgb, so):
        wid = lax.axis_index("s") * nc + lax.axis_index("c")
        off_v[pl.ds(L - 8, 16)] = jnp.zeros((16,), jnp.int32)

        def body(j, carry):
            b = wid * b_per_w + j
            pltpu.sync_copy(ids_hbm.at[pl.ds(b * T, T)], ids_v)
            pltpu.sync_copy(off_hbm.at[pl.ds(b * L, L)], off_v.at[pl.ds(0, L)])
            for c in range(6):
                wa[pl.ds(c * 16, 16)] = plsc.load_gather(
                    ids_v, [off_v[pl.ds(c * 16, 16)]])
            for c in range(7):
                wb[pl.ds(c * 16, 16)] = plsc.load_gather(
                    ids_v, [off_v[pl.ds(96 + c * 16, 16)]])
            ga = pltpu.async_copy(table_hbm.at[wa], rowsa, sga)
            gb = pltpu.async_copy(table_hbm.at[wb], rowsb, sgb)
            ga.wait()
            oa = pltpu.async_copy(rowsa, out_hbm.at[pl.ds(b * L, 96)], so)
            gb.wait()
            ob = pltpu.async_copy(rowsb.at[pl.ds(0, 104)],
                                  out_hbm.at[pl.ds(b * L + 96, 104)], so)
            oa.wait()
            ob.wait()
            return carry

        lax.fori_loop(0, b_per_w, body, 0)

    out = k(we_ids.reshape(B * T), we_off.reshape(B * L),
            _tc_pad_table(word_table))
    return out.reshape(B, L, WE_PAD)



BB = 16


def _pad_rows(t):
    r = t.shape[0]
    rp = (r + 7) // 8 * 8
    if rp == r:
        return t
    return jnp.pad(t, ((0, rp - r), (0, 0)))


def _tc_assemble(word_emb, pred_i, pos_i, wabs_i, dabs_i, deprel_i,
                 pos_t, deprel_t, wabs_t, dabs_t, pred_t):
    n = BB * L

    def body(word_ref, predi_ref, posi_ref, wabsi_ref, dabsi_ref, depreli_ref,
             post_ref, deprelt_ref, wabst_ref, dabst_ref, predt_ref, out_ref):
        def look(idx_ref, t_ref):
            idx = idx_ref[...].reshape(n)
            rows = t_ref.shape[0]
            ohT = (lax.broadcast_in_dim(idx, (rows, n), (1,))
                   == lax.broadcasted_iota(jnp.int32, (rows, n), 0))
            ohT = ohT.astype(jnp.bfloat16)
            return lax.dot_general(ohT, t_ref[...].astype(jnp.bfloat16),
                                   (((0,), (0,)), ((), ())),
                                   preferred_element_type=jnp.float32)

        w = word_ref[...][:, :, :WE_DIM].reshape(n, WE_DIM)
        parts = [
            w,
            look(predi_ref, predt_ref),
            look(posi_ref, post_ref),
            look(wabsi_ref, wabst_ref),
            look(dabsi_ref, dabst_ref),
            look(depreli_ref, deprelt_ref),
        ]
        out_ref[...] = jnp.concatenate(parts, axis=-1).reshape(BB, L, OUT_DIM)

    tables = [_pad_rows(t) for t in (pos_t, deprel_t, wabs_t, dabs_t, pred_t)]
    full = lambda t: pl.BlockSpec(t.shape, lambda i: (0, 0))
    idx1 = pl.BlockSpec((1, 1, n), lambda i: (i, 0, 0))
    return pl.pallas_call(
        body,
        grid=(B // BB,),
        in_specs=[
            pl.BlockSpec((BB, L, WE_PAD), lambda i: (i, 0, 0)),
            idx1, idx1, idx1, idx1, idx1,
            full(tables[0]), full(tables[1]), full(tables[2]),
            full(tables[3]), full(tables[4]),
        ],
        out_specs=pl.BlockSpec((BB, L, OUT_DIM), lambda i: (i, 0, 0)),
        out_shape=jax.ShapeDtypeStruct((B, L, OUT_DIM), jnp.float32),
        compiler_params=pltpu.CompilerParams(
            fuse_transposed_lhs_in_matmul=True),
    )(word_emb,
      pred_i.reshape(B // BB, 1, n), pos_i.reshape(B // BB, 1, n),
      wabs_i.reshape(B // BB, 1, n), dabs_i.reshape(B // BB, 1, n),
      deprel_i.reshape(B // BB, 1, n), *tables)


def kernel(sent_len_rep, we_input_id_rep, we_offset_rep, we_len_rep,
           pred_ind_rep, pos_rep, word_abs_position_rep, dep_abs_position_rep,
           deprel_rep, word_table, pos_table, deprel_table,
           word_abs_table, dep_abs_table, pred_ind_table):
    word_emb = _sc_word_gather(we_input_id_rep, we_offset_rep, word_table)
    return _tc_assemble(word_emb, pred_ind_rep, pos_rep,
                        word_abs_position_rep, dep_abs_position_rep,
                        deprel_rep, pos_table, deprel_table,
                        word_abs_table, dep_abs_table, pred_ind_table)

# --- scband reference (transcript-rebuilt; emitter-appended) ---
"""Pipeline reference for scband-embedder-39805756900153 (READ-ONLY COPY).

The authoritative reference and input builder live on the scoring server;
editing this copy changes nothing except your own understanding.
"""

import jax, jax.numpy as jnp
import numpy as np

PAD = 0
DUMMY_MAX_LEN = 512
B, L, T = 1024, 200, 256
WE_VOCAB, WE_DIM = 100000, 300
POS_SIZE, POS_DIM = 50, 64
DEPREL_SIZE, DEPREL_DIM = 50, 64
ABS_DIM = 64
PRED_SIZE, PRED_DIM = 3, 16


def setup_inputs(seed: int = 0) -> dict:
    key = jax.random.key(seed)
    ks = jax.random.split(key, 16)
    inp = {}
    inp["sent_len_rep"] = jax.random.randint(ks[0], (B,), 1, L + 1)
    inp["we_input_id_rep"] = jax.random.randint(ks[1], (B, T), 0, WE_VOCAB)
    inp["we_offset_rep"] = jax.random.randint(ks[2], (B, L), 0, T)
    inp["we_len_rep"] = jax.random.randint(ks[3], (B,), 1, T + 1)
    inp["pred_ind_rep"] = jax.random.randint(ks[4], (B, L), 0, PRED_SIZE)
    inp["pos_rep"] = jax.random.randint(ks[5], (B, L), 0, POS_SIZE)
    inp["word_abs_position_rep"] = jax.random.randint(ks[6], (B, L), 0, DUMMY_MAX_LEN + 1)
    inp["dep_abs_position_rep"] = jax.random.randint(ks[7], (B, L), 0, DUMMY_MAX_LEN + 1)
    inp["deprel_rep"] = jax.random.randint(ks[8], (B, L), 0, DEPREL_SIZE)
    # learned parameters (padding rows zeroed like nn.Embedding(padding_idx=...))
    inp["word_table"] = jax.random.normal(ks[9], (WE_VOCAB, WE_DIM), dtype=jnp.float32) * 0.02
    inp["pos_table"] = (jax.random.normal(ks[10], (POS_SIZE, POS_DIM), dtype=jnp.float32) * 0.02).at[PAD].set(0.0)
    inp["deprel_table"] = (jax.random.normal(ks[11], (DEPREL_SIZE, DEPREL_DIM), dtype=jnp.float32) * 0.02).at[PAD].set(0.0)
    inp["word_abs_table"] = (jax.random.normal(ks[12], (DUMMY_MAX_LEN + 1, ABS_DIM), dtype=jnp.float32) * 0.02).at[DUMMY_MAX_LEN].set(0.0)
    inp["dep_abs_table"] = (jax.random.normal(ks[13], (DUMMY_MAX_LEN + 1, ABS_DIM), dtype=jnp.float32) * 0.02).at[DUMMY_MAX_LEN].set(0.0)
    inp["pred_ind_table"] = (jax.random.normal(ks[14], (PRED_SIZE, PRED_DIM), dtype=jnp.float32) * 0.02).at[PAD].set(0.0)
    return inp


def reference(sent_len_rep, we_input_id_rep, we_offset_rep, we_len_rep,
              pred_ind_rep, pos_rep, word_abs_position_rep, dep_abs_position_rep,
              deprel_rep, word_table, pos_table, deprel_table,
              word_abs_table, dep_abs_table, pred_ind_table):
    # PretrainedWordEmbedding: subword-token embedding lookup followed by
    # word-offset gather (first-subword pooling), the standard contextual-
    # embedding-to-word alignment pattern.
    sub_emb = jnp.take(word_table, we_input_id_rep, axis=0)              # [B, T, WE_DIM]
    word_emb = jnp.take_along_axis(sub_emb, we_offset_rep[:, :, None], axis=1)  # [B, L, WE_DIM]
    embs = [
        word_emb,
        jnp.take(pred_ind_table, pred_ind_rep, axis=0),                  # [B, L, 16]
        jnp.take(pos_table, pos_rep, axis=0),                            # [B, L, 64]
        jnp.take(word_abs_table, word_abs_position_rep, axis=0),         # [B, L, 64]
        jnp.take(dep_abs_table, dep_abs_position_rep, axis=0),           # [B, L, 64]
        jnp.take(deprel_table, deprel_rep, axis=0),                      # [B, L, 64]
    ]
    out = jnp.concatenate(embs, axis=-1)  # [B, L, 572]
    # dropout is identity in eval mode; use_positional_embedding=False so no masked_fill
    return out

if __name__ == "__main__":
    import jax
    _d = setup_inputs()
    print(jax.jit(kernel)(*tuple(_d.values())))

</pallas_src>

<mosaic_0001>
#map = affine_map<(d0, d1) -> (0)>
#map1 = affine_map<(d0, d1) -> (0, 0)>
module attributes {stable_mosaic.version = 14 : i64} {
  func.func @k(%arg0: i32, %arg1: i32, %arg2: memref<262144xi32, #tpu.memory_space<hbm>>, %arg3: memref<204800xi32, #tpu.memory_space<hbm>>, %arg4: memref<100000x384xf32, #tpu.memory_space<hbm>>, %arg5: memref<204800x384xf32, #tpu.memory_space<hbm>>, %arg6: memref<256xi32, #tpu.memory_space<vmem>>, %arg7: memref<208xi32, #tpu.memory_space<vmem>>, %arg8: memref<96xi32, #tpu.memory_space<vmem>>, %arg9: memref<112xi32, #tpu.memory_space<vmem>>, %arg10: memref<96x384xf32, #tpu.memory_space<vmem>>, %arg11: memref<112x384xf32, #tpu.memory_space<vmem>>, %arg12: memref<!tpu.dma_semaphore, #tpu.memory_space<semaphore_mem>>, %arg13: memref<!tpu.dma_semaphore, #tpu.memory_space<semaphore_mem>>, %arg14: memref<!tpu.dma_semaphore, #tpu.memory_space<semaphore_mem>>) attributes {dimension_semantics = [#tpu.dimension_semantics<core_parallel>, #tpu.dimension_semantics<subcore_parallel>], iteration_bounds = array<i64: 2, 16>, scalar_prefetch = 0 : i64, scratch_operands = 9 : i64, tpu.core_type = #tpu.core_type<sc_vector_subcore>, window_params = [{transform_indices = #map}, {transform_indices = #map}, {transform_indices = #map1}, {transform_indices = #map1}]} {
    %mul3A = arith.constant 2 : i32
    %mul3A_0 = arith.muli %arg1, %mul3A : i32
    %add3A = arith.addi %mul3A_0, %arg0 : i32
    %broadcast_in_dim3A = arith.constant 0 : i32
    %broadcast_in_dim3A_1 = vector.broadcast %broadcast_in_dim3A : i32 to vector<16xi32>
    %swap3A = arith.constant 192 : index
    %swap3A_2 = tpu.vector_load %arg7[%swap3A] {strides = array<i32>} : memref<208xi32, #tpu.memory_space<vmem>>, vector<16xi32>,
    tpu.vector_store %arg7[%swap3A], %broadcast_in_dim3A_1 {strides = array<i32>} : memref<208xi32, #tpu.memory_space<vmem>>, vector<16xi32>,
    %scan3A = arith.constant 0 : i32
    %scan3A_3 = arith.constant 0 : i32
    %scan3A_4 = arith.constant 32 : i32
    %scan3A_5 = arith.addi %scan3A_3, %scan3A_4 : i32
    %scan3A_6 = arith.constant 1 : i32
    scf.for %scan3A_8 = %scan3A_3 to %scan3A_5 step %scan3A_6  : i32 {
      %mul3A_9 = arith.constant 32 : i32
      %mul3A_10 = arith.muli %add3A, %mul3A_9 : i32
      %add3A_11 = arith.addi %mul3A_10, %scan3A_8 : i32
      %mul3A_12 = arith.constant 256 : i32
      %mul3A_13 = arith.muli %add3A_11, %mul3A_12 : i32
      "tpu.region"() ({
        %run_scoped3A = tpu.sem_alloc : memref<!tpu.dma_semaphore, #tpu.memory_space<semaphore_mem>>
        %dma_start3A_123 = tpu.memref_slice %arg2[%mul3A_13] : memref<262144xi32, #tpu.memory_space<hbm>> -> memref<256xi32, #tpu.memory_space<hbm>>
        %dma_start3A_124 = tpu.memref_slice %arg2[%mul3A_13] : memref<262144xi32, #tpu.memory_space<hbm>> -> memref<256xi32, #tpu.memory_space<hbm>>
        tpu.enqueue_dma source(%dma_start3A_124 : memref<256xi32, #tpu.memory_space<hbm>>) target(%arg6 : memref<256xi32, #tpu.memory_space<vmem>>) target_semaphore(%run_scoped3A : memref<!tpu.dma_semaphore, #tpu.memory_space<semaphore_mem>>)
        %dma_wait3A_125 = tpu.memref_slice %arg2[%mul3A_13] : memref<262144xi32, #tpu.memory_space<hbm>> -> memref<256xi32, #tpu.memory_space<hbm>>
        %dma_wait3A_126 = tpu.memref_slice %arg2[%mul3A_13] : memref<262144xi32, #tpu.memory_space<hbm>> -> memref<256xi32, #tpu.memory_space<hbm>>
        tpu.wait_dma2 semaphore(%run_scoped3A : memref<!tpu.dma_semaphore, #tpu.memory_space<semaphore_mem>>) src(%dma_wait3A_126 : memref<256xi32, #tpu.memory_space<hbm>>) dst(%arg6 : memref<256xi32, #tpu.memory_space<vmem>>)
        tpu.yield
      }) : () -> ()
      %mul3A_14 = arith.constant 200 : i32
      %mul3A_15 = arith.muli %add3A_11, %mul3A_14 : i32
      "tpu.region"() ({
        %run_scoped3A = tpu.sem_alloc : memref<!tpu.dma_semaphore, #tpu.memory_space<semaphore_mem>>
        %dma_start3A_123 = arith.constant 0 : i32
        %dma_start3A_124 = tpu.memref_slice %arg7[%dma_start3A_123] : memref<208xi32, #tpu.memory_space<vmem>> -> memref<200xi32, #tpu.memory_space<vmem>>
        %dma_start3A_125 = tpu.memref_slice %arg3[%mul3A_15] : memref<204800xi32, #tpu.memory_space<hbm>> -> memref<200xi32, #tpu.memory_space<hbm>>
        %dma_start3A_126 = arith.constant 0 : i32
        %dma_start3A_127 = tpu.memref_slice %arg7[%dma_start3A_126] : memref<208xi32, #tpu.memory_space<vmem>> -> memref<200xi32, #tpu.memory_space<vmem>>
        %dma_start3A_128 = tpu.memref_slice %arg3[%mul3A_15] : memref<204800xi32, #tpu.memory_space<hbm>> -> memref<200xi32, #tpu.memory_space<hbm>>
        tpu.enqueue_dma source(%dma_start3A_128 : memref<200xi32, #tpu.memory_space<hbm>>) target(%dma_start3A_127 : memref<200xi32, #tpu.memory_space<vmem>>) target_semaphore(%run_scoped3A : memref<!tpu.dma_semaphore, #tpu.memory_space<semaphore_mem>>)
        %dma_wait3A_129 = arith.constant 0 : i32
        %dma_wait3A_130 = tpu.memref_slice %arg7[%dma_wait3A_129] : memref<208xi32, #tpu.memory_space<vmem>> -> memref<200xi32, #tpu.memory_space<vmem>>
        %dma_wait3A_131 = tpu.memref_slice %arg3[%mul3A_15] : memref<204800xi32, #tpu.memory_space<hbm>> -> memref<200xi32, #tpu.memory_space<hbm>>
        %dma_wait3A_132 = arith.constant 0 : i32
        %dma_wait3A_133 = tpu.memref_slice %arg7[%dma_wait3A_132] : memref<208xi32, #tpu.memory_space<vmem>> -> memref<200xi32, #tpu.memory_space<vmem>>
        %dma_wait3A_134 = tpu.memref_slice %arg3[%mul3A_15] : memref<204800xi32, #tpu.memory_space<hbm>> -> memref<200xi32, #tpu.memory_space<hbm>>
        tpu.wait_dma2 semaphore(%run_scoped3A : memref<!tpu.dma_semaphore, #tpu.memory_space<semaphore_mem>>) src(%dma_wait3A_134 : memref<200xi32, #tpu.memory_space<hbm>>) dst(%dma_wait3A_133 : memref<200xi32, #tpu.memory_space<vmem>>)
        tpu.yield
      }) : () -> ()
      %get3A = arith.constant 0 : index
      %get3A_16 = tpu.vector_load %arg7[%get3A] {strides = array<i32>} : memref<208xi32, #tpu.memory_space<vmem>>, vector<16xi32>,
      %gather3A = tpu.vector_load_idx %arg6[%get3A_16] : memref<256xi32, #tpu.memory_space<vmem>>[vector<16xi32>], vector<16xi32>,
      %swap3A_17 = arith.constant 0 : index
      %swap3A_18 = tpu.vector_load %arg8[%swap3A_17] {strides = array<i32>} : memref<96xi32, #tpu.memory_space<vmem>>, vector<16xi32>,
      tpu.vector_store %arg8[%swap3A_17], %gather3A {strides = array<i32>} : memref<96xi32, #tpu.memory_space<vmem>>, vector<16xi32>,
      %get3A_19 = arith.constant 16 : index
      %get3A_20 = tpu.vector_load %arg7[%get3A_19] {strides = array<i32>} : memref<208xi32, #tpu.memory_space<vmem>>, vector<16xi32>,
      %gather3A_21 = tpu.vector_load_idx %arg6[%get3A_20] : memref<256xi32, #tpu.memory_space<vmem>>[vector<16xi32>], vector<16xi32>,
      %swap3A_22 = arith.constant 16 : index
      %swap3A_23 = tpu.vector_load %arg8[%swap3A_22] {strides = array<i32>} : memref<96xi32, #tpu.memory_space<vmem>>, vector<16xi32>,
      tpu.vector_store %arg8[%swap3A_22], %gather3A_21 {strides = array<i32>} : memref<96xi32, #tpu.memory_space<vmem>>, vector<16xi32>,
      %get3A_24 = arith.constant 32 : index
      %get3A_25 = tpu.vector_load %arg7[%get3A_24] {strides = array<i32>} : memref<208xi32, #tpu.memory_space<vmem>>, vector<16xi32>,
      %gather3A_26 = tpu.vector_load_idx %arg6[%get3A_25] : memref<256xi32, #tpu.memory_space<vmem>>[vector<16xi32>], vector<16xi32>,
      %swap3A_27 = arith.constant 32 : index
      %swap3A_28 = tpu.vector_load %arg8[%swap3A_27] {strides = array<i32>} : memref<96xi32, #tpu.memory_space<vmem>>, vector<16xi32>,
      tpu.vector_store %arg8[%swap3A_27], %gather3A_26 {strides = array<i32>} : memref<96xi32, #tpu.memory_space<vmem>>, vector<16xi32>,
      %get3A_29 = arith.constant 48 : index
      %get3A_30 = tpu.vector_load %arg7[%get3A_29] {strides = array<i32>} : memref<208xi32, #tpu.memory_space<vmem>>, vector<16xi32>,
      %gather3A_31 = tpu.vector_load_idx %arg6[%get3A_30] : memref<256xi32, #tpu.memory_space<vmem>>[vector<16xi32>], vector<16xi32>,
      %swap3A_32 = arith.constant 48 : index
      %swap3A_33 = tpu.vector_load %arg8[%swap3A_32] {strides = array<i32>} : memref<96xi32, #tpu.memory_space<vmem>>, vector<16xi32>,
      tpu.vector_store %arg8[%swap3A_32], %gather3A_31 {strides = array<i32>} : memref<96xi32, #tpu.memory_space<vmem>>, vector<16xi32>,
      %get3A_34 = arith.constant 64 : index
      %get3A_35 = tpu.vector_load %arg7[%get3A_34] {strides = array<i32>} : memref<208xi32, #tpu.memory_space<vmem>>, vector<16xi32>,
      %gather3A_36 = tpu.vector_load_idx %arg6[%get3A_35] : memref<256xi32, #tpu.memory_space<vmem>>[vector<16xi32>], vector<16xi32>,
      %swap3A_37 = arith.constant 64 : index
      %swap3A_38 = tpu.vector_load %arg8[%swap3A_37] {strides = array<i32>} : memref<96xi32, #tpu.memory_space<vmem>>, vector<16xi32>,
      tpu.vector_store %arg8[%swap3A_37], %gather3A_36 {strides = array<i32>} : memref<96xi32, #tpu.memory_space<vmem>>, vector<16xi32>,
      %get3A_39 = arith.constant 80 : index
      %get3A_40 = tpu.vector_load %arg7[%get3A_39] {strides = array<i32>} : memref<208xi32, #tpu.memory_space<vmem>>, vector<16xi32>,
      %gather3A_41 = tpu.vector_load_idx %arg6[%get3A_40] : memref<256xi32, #tpu.memory_space<vmem>>[vector<16xi32>], vector<16xi32>,
      %swap3A_42 = arith.constant 80 : index
      %swap3A_43 = tpu.vector_load %arg8[%swap3A_42] {strides = array<i32>} : memref<96xi32, #tpu.memory_space<vmem>>, vector<16xi32>,
      tpu.vector_store %arg8[%swap3A_42], %gather3A_41 {strides = array<i32>} : memref<96xi32, #tpu.memory_space<vmem>>, vector<16xi32>,
      %get3A_44 = arith.constant 96 : index
      %get3A_45 = tpu.vector_load %arg7[%get3A_44] {strides = array<i32>} : memref<208xi32, #tpu.memory_space<vmem>>, vector<16xi32>,
      %gather3A_46 = tpu.vector_load_idx %arg6[%get3A_45] : memref<256xi32, #tpu.memory_space<vmem>>[vector<16xi32>], vector<16xi32>,
      %swap3A_47 = arith.constant 0 : index
      %swap3A_48 = tpu.vector_load %arg9[%swap3A_47] {strides = array<i32>} : memref<112xi32, #tpu.memory_space<vmem>>, vector<16xi32>,
      tpu.vector_store %arg9[%swap3A_47], %gather3A_46 {strides = array<i32>} : memref<112xi32, #tpu.memory_space<vmem>>, vector<16xi32>,
      %get3A_49 = arith.constant 112 : index
      %get3A_50 = tpu.vector_load %arg7[%get3A_49] {strides = array<i32>} : memref<208xi32, #tpu.memory_space<vmem>>, vector<16xi32>,
      %gather3A_51 = tpu.vector_load_idx %arg6[%get3A_50] : memref<256xi32, #tpu.memory_space<vmem>>[vector<16xi32>], vector<16xi32>,
      %swap3A_52 = arith.constant 16 : index
      %swap3A_53 = tpu.vector_load %arg9[%swap3A_52] {strides = array<i32>} : memref<112xi32, #tpu.memory_space<vmem>>, vector<16xi32>,
      tpu.vector_store %arg9[%swap3A_52], %gather3A_51 {strides = array<i32>} : memref<112xi32, #tpu.memory_space<vmem>>, vector<16xi32>,
      %get3A_54 = arith.constant 128 : index
      %get3A_55 = tpu.vector_load %arg7[%get3A_54] {strides = array<i32>} : memref<208xi32, #tpu.memory_space<vmem>>, vector<16xi32>,
      %gather3A_56 = tpu.vector_load_idx %arg6[%get3A_55] : memref<256xi32, #tpu.memory_space<vmem>>[vector<16xi32>], vector<16xi32>,
      %swap3A_57 = arith.constant 32 : index
      %swap3A_58 = tpu.vector_load %arg9[%swap3A_57] {strides = array<i32>} : memref<112xi32, #tpu.memory_space<vmem>>, vector<16xi32>,
      tpu.vector_store %arg9[%swap3A_57], %gather3A_56 {strides = array<i32>} : memref<112xi32, #tpu.memory_space<vmem>>, vector<16xi32>,
      %get3A_59 = arith.constant 144 : index
      %get3A_60 = tpu.vector_load %arg7[%get3A_59] {strides = array<i32>} : memref<208xi32, #tpu.memory_space<vmem>>, vector<16xi32>,
      %gather3A_61 = tpu.vector_load_idx %arg6[%get3A_60] : memref<256xi32, #tpu.memory_space<vmem>>[vector<16xi32>], vector<16xi32>,
      %swap3A_62 = arith.constant 48 : index
      %swap3A_63 = tpu.vector_load %arg9[%swap3A_62] {strides = array<i32>} : memref<112xi32, #tpu.memory_space<vmem>>, vector<16xi32>,
      tpu.vector_store %arg9[%swap3A_62], %gather3A_61 {strides = array<i32>} : memref<112xi32, #tpu.memory_space<vmem>>, vector<16xi32>,
      %get3A_64 = arith.constant 160 : index
      %get3A_65 = tpu.vector_load %arg7[%get3A_64] {strides = array<i32>} : memref<208xi32, #tpu.memory_space<vmem>>, vector<16xi32>,
      %gather3A_66 = tpu.vector_load_idx %arg6[%get3A_65] : memref<256xi32, #tpu.memory_space<vmem>>[vector<16xi32>], vector<16xi32>,
      %swap3A_67 = arith.constant 64 : index
      %swap3A_68 = tpu.vector_load %arg9[%swap3A_67] {strides = array<i32>} : memref<112xi32, #tpu.memory_space<vmem>>, vector<16xi32>,
      tpu.vector_store %arg9[%swap3A_67], %gather3A_66 {strides = array<i32>} : memref<112xi32, #tpu.memory_space<vmem>>, vector<16xi32>,
      %get3A_69 = arith.constant 176 : index
      %get3A_70 = tpu.vector_load %arg7[%get3A_69] {strides = array<i32>} : memref<208xi32, #tpu.memory_space<vmem>>, vector<16xi32>,
      %gather3A_71 = tpu.vector_load_idx %arg6[%get3A_70] : memref<256xi32, #tpu.memory_space<vmem>>[vector<16xi32>], vector<16xi32>,
      %swap3A_72 = arith.constant 80 : index
      %swap3A_73 = tpu.vector_load %arg9[%swap3A_72] {strides = array<i32>} : memref<112xi32, #tpu.memory_space<vmem>>, vector<16xi32>,
      tpu.vector_store %arg9[%swap3A_72], %gather3A_71 {strides = array<i32>} : memref<112xi32, #tpu.memory_space<vmem>>, vector<16xi32>,
      %get3A_74 = arith.constant 192 : index
      %get3A_75 = tpu.vector_load %arg7[%get3A_74] {strides = array<i32>} : memref<208xi32, #tpu.memory_space<vmem>>, vector<16xi32>,
      %gather3A_76 = tpu.vector_load_idx %arg6[%get3A_75] : memref<256xi32, #tpu.memory_space<vmem>>[vector<16xi32>], vector<16xi32>,
      %swap3A_77 = arith.constant 96 : index
      %swap3A_78 = tpu.vector_load %arg9[%swap3A_77] {strides = array<i32>} : memref<112xi32, #tpu.memory_space<vmem>>, vector<16xi32>,
      tpu.vector_store %arg9[%swap3A_77], %gather3A_76 {strides = array<i32>} : memref<112xi32, #tpu.memory_space<vmem>>, vector<16xi32>,
      %dma_start3A = arith.constant 0 : i32
      %dma_start3A_79 = arith.constant 0 : i32
      %dma_start3A_80 = tpu.memref_slice %arg4[%dma_start3A, %dma_start3A_79] : memref<100000x384xf32, #tpu.memory_space<hbm>> -> memref<100000x384xf32, #tpu.memory_space<hbm>>
      tpu.enqueue_indirect_dma source(%dma_start3A_80 : memref<100000x384xf32, #tpu.memory_space<hbm>>) target(%arg10 : memref<96x384xf32, #tpu.memory_space<vmem>>) offsets(%arg8 : memref<96xi32, #tpu.memory_space<vmem>>) semaphore(%arg12 : memref<!tpu.dma_semaphore, #tpu.memory_space<semaphore_mem>>)
      %dma_start3A_81 = arith.constant 0 : i32
      %dma_start3A_82 = arith.constant 0 : i32
      %dma_start3A_83 = tpu.memref_slice %arg4[%dma_start3A_81, %dma_start3A_82] : memref<100000x384xf32, #tpu.memory_space<hbm>> -> memref<100000x384xf32, #tpu.memory_space<hbm>>
      tpu.enqueue_indirect_dma source(%dma_start3A_83 : memref<100000x384xf32, #tpu.memory_space<hbm>>) target(%arg11 : memref<112x384xf32, #tpu.memory_space<vmem>>) offsets(%arg9 : memref<112xi32, #tpu.memory_space<vmem>>) semaphore(%arg13 : memref<!tpu.dma_semaphore, #tpu.memory_space<semaphore_mem>>)
      %dma_wait3A = arith.constant 0 : i32
      %dma_wait3A_84 = arith.constant 0 : i32
      %dma_wait3A_85 = tpu.memref_slice %arg4[%dma_wait3A, %dma_wait3A_84] : memref<100000x384xf32, #tpu.memory_space<hbm>> -> memref<100000x384xf32, #tpu.memory_space<hbm>>
      tpu.wait_indirect_dma semaphore(%arg12 : memref<!tpu.dma_semaphore, #tpu.memory_space<semaphore_mem>>) src(%dma_wait3A_85 : memref<100000x384xf32, #tpu.memory_space<hbm>>) dst(%arg10 : memref<96x384xf32, #tpu.memory_space<vmem>>)
      %mul3A_86 = arith.constant 200 : i32
      %mul3A_87 = arith.muli %add3A_11, %mul3A_86 : i32
      %dma_start3A_88 = arith.constant 0 : i32
      %dma_start3A_89 = tpu.memref_slice %arg5[%mul3A_87, %dma_start3A_88] : memref<204800x384xf32, #tpu.memory_space<hbm>> -> memref<96x384xf32, #tpu.memory_space<hbm>>
      %dma_start3A_90 = arith.constant 0 : i32
      %dma_start3A_91 = tpu.memref_slice %arg5[%mul3A_87, %dma_start3A_90] : memref<204800x384xf32, #tpu.memory_space<hbm>> -> memref<96x384xf32, #tpu.memory_space<hbm>>
      tpu.enqueue_dma source(%arg10 : memref<96x384xf32, #tpu.memory_space<vmem>>) target(%dma_start3A_91 : memref<96x384xf32, #tpu.memory_space<hbm>>) target_semaphore(%arg14 : memref<!tpu.dma_semaphore, #tpu.memory_space<semaphore_mem>>)
      %dma_wait3A_92 = arith.constant 0 : i32
      %dma_wait3A_93 = arith.constant 0 : i32
      %dma_wait3A_94 = tpu.memref_slice %arg4[%dma_wait3A_92, %dma_wait3A_93] : memref<100000x384xf32, #tpu.memory_space<hbm>> -> memref<100000x384xf32, #tpu.memory_space<hbm>>
      tpu.wait_indirect_dma semaphore(%arg13 : memref<!tpu.dma_semaphore, #tpu.memory_space<semaphore_mem>>) src(%dma_wait3A_94 : memref<100000x384xf32, #tpu.memory_space<hbm>>) dst(%arg11 : memref<112x384xf32, #tpu.memory_space<vmem>>)
      %mul3A_95 = arith.constant 200 : i32
      %mul3A_96 = arith.muli %add3A_11, %mul3A_95 : i32
      %add3A_97 = arith.constant 96 : i32
      %add3A_98 = arith.addi %mul3A_96, %add3A_97 : i32
      %dma_start3A_99 = arith.constant 0 : i32
      %dma_start3A_100 = arith.constant 0 : i32
      %dma_start3A_101 = tpu.memref_slice %arg11[%dma_start3A_99, %dma_start3A_100] : memref<112x384xf32, #tpu.memory_space<vmem>> -> memref<104x384xf32, #tpu.memory_space<vmem>>
      %dma_start3A_102 = arith.constant 0 : i32
      %dma_start3A_103 = tpu.memref_slice %arg5[%add3A_98, %dma_start3A_102] : memref<204800x384xf32, #tpu.memory_space<hbm>> -> memref<104x384xf32, #tpu.memory_space<hbm>>
      %dma_start3A_104 = arith.constant 0 : i32
      %dma_start3A_105 = tpu.memref_slice %arg5[%add3A_98, %dma_start3A_104] : memref<204800x384xf32, #tpu.memory_space<hbm>> -> memref<104x384xf32, #tpu.memory_space<hbm>>
      %dma_start3A_106 = arith.constant 0 : i32
      %dma_start3A_107 = arith.constant 0 : i32
      %dma_start3A_108 = tpu.memref_slice %arg11[%dma_start3A_106, %dma_start3A_107] : memref<112x384xf32, #tpu.memory_space<vmem>> -> memref<104x384xf32, #tpu.memory_space<vmem>>
      tpu.enqueue_dma source(%dma_start3A_108 : memref<104x384xf32, #tpu.memory_space<vmem>>) target(%dma_start3A_105 : memref<104x384xf32, #tpu.memory_space<hbm>>) target_semaphore(%arg14 : memref<!tpu.dma_semaphore, #tpu.memory_space<semaphore_mem>>)
      %dma_wait3A_109 = arith.constant 0 : i32
      %dma_wait3A_110 = tpu.memref_slice %arg5[%mul3A_87, %dma_wait3A_109] : memref<204800x384xf32, #tpu.memory_space<hbm>> -> memref<96x384xf32, #tpu.memory_space<hbm>>
      %dma_wait3A_111 = arith.constant 0 : i32
      %dma_wait3A_112 = tpu.memref_slice %arg5[%mul3A_87, %dma_wait3A_111] : memref<204800x384xf32, #tpu.memory_space<hbm>> -> memref<96x384xf32, #tpu.memory_space<hbm>>
      tpu.wait_dma2 semaphore(%arg14 : memref<!tpu.dma_semaphore, #tpu.memory_space<semaphore_mem>>) src(%arg10 : memref<96x384xf32, #tpu.memory_space<vmem>>) dst(%dma_wait3A_112 : memref<96x384xf32, #tpu.memory_space<hbm>>)
      %dma_wait3A_113 = arith.constant 0 : i32
      %dma_wait3A_114 = arith.constant 0 : i32
      %dma_wait3A_115 = tpu.memref_slice %arg11[%dma_wait3A_113, %dma_wait3A_114] : memref<112x384xf32, #tpu.memory_space<vmem>> -> memref<104x384xf32, #tpu.memory_space<vmem>>
      %dma_wait3A_116 = arith.constant 0 : i32
      %dma_wait3A_117 = tpu.memref_slice %arg5[%add3A_98, %dma_wait3A_116] : memref<204800x384xf32, #tpu.memory_space<hbm>> -> memref<104x384xf32, #tpu.memory_space<hbm>>
      %dma_wait3A_118 = arith.constant 0 : i32
      %dma_wait3A_119 = tpu.memref_slice %arg5[%add3A_98, %dma_wait3A_118] : memref<204800x384xf32, #tpu.memory_space<hbm>> -> memref<104x384xf32, #tpu.memory_space<hbm>>
      %dma_wait3A_120 = arith.constant 0 : i32
      %dma_wait3A_121 = arith.constant 0 : i32
      %dma_wait3A_122 = tpu.memref_slice %arg11[%dma_wait3A_120, %dma_wait3A_121] : memref<112x384xf32, #tpu.memory_space<vmem>> -> memref<104x384xf32, #tpu.memory_space<vmem>>
      tpu.wait_dma2 semaphore(%arg14 : memref<!tpu.dma_semaphore, #tpu.memory_space<semaphore_mem>>) src(%dma_wait3A_122 : memref<104x384xf32, #tpu.memory_space<vmem>>) dst(%dma_wait3A_119 : memref<104x384xf32, #tpu.memory_space<hbm>>)
    }
    %scan3A_7 = arith.constant 32 : i32
    return
  }
}

module attributes {stable_mosaic.version = 14 : i64} {
  func.func @body(%arg0: i32, %arg1: memref<4000x300xf32, #tpu.memory_space<vmem>>, %arg2: memref<4000x384xf32, #tpu.memory_space<vmem>>) attributes {dimension_semantics = [#tpu.dimension_semantics<arbitrary>], iteration_bounds = array<i64: 25>, scalar_prefetch = 0 : i64, scratch_operands = 0 : i64, tpu.core_type = #tpu.core_type<tc>, window_params = [{transform_indices = @transform_0, window_bounds = array<i64: 4000, 300>}, {transform_indices = @transform_1, window_bounds = array<i64: 4000, 384>}]} {
    %broadcast_in_dim3A = arith.constant 0.000000e+00 : f32
    %broadcast_in_dim3A_0 = vector.broadcast %broadcast_in_dim3A : f32 to vector<4000x84xf32>
    %get3A = arith.constant 0 : index
    %get3A_1 = arith.constant 0 : index
    %get3A_2 = vector.load %arg1[%get3A, %get3A_1] : memref<4000x300xf32, #tpu.memory_space<vmem>>, vector<4000x300xf32>
    %concatenate3A = tpu.concatenate %get3A_2, %broadcast_in_dim3A_0 in 1 : vector<4000x300xf32>, vector<4000x84xf32> -> vector<4000x384xf32>
    %swap3A = arith.constant 0 : index
    %swap3A_3 = arith.constant 0 : index
    %swap3A_4 = vector.load %arg2[%swap3A, %swap3A_3] : memref<4000x384xf32, #tpu.memory_space<vmem>>, vector<4000x384xf32>
    tpu.vector_store %arg2[%swap3A, %swap3A_3], %concatenate3A {strides = array<i32>} : memref<4000x384xf32, #tpu.memory_space<vmem>>, vector<4000x384xf32>,
    return
  }
  func.func @transform_0(%arg0: i32) -> (i32, i32) {
    %c0_i32 = arith.constant 0 : i32
    %c0_i32_0 = arith.constant 0 : i32
    return %arg0, %c0_i32 : i32, i32
  }
  func.func @transform_1(%arg0: i32) -> (i32, i32) {
    %c0_i32 = arith.constant 0 : i32
    %c0_i32_0 = arith.constant 0 : i32
    return %arg0, %c0_i32 : i32, i32
  }
}

module attributes {stable_mosaic.version = 14 : i64} {
  func.func @body(%arg0: i32, %arg1: memref<16x200x384xf32, #tpu.memory_space<vmem>>, %arg2: memref<1x1x3200xi32, #tpu.memory_space<vmem>>, %arg3: memref<1x1x3200xi32, #tpu.memory_space<vmem>>, %arg4: memref<1x1x3200xi32, #tpu.memory_space<vmem>>, %arg5: memref<1x1x3200xi32, #tpu.memory_space<vmem>>, %arg6: memref<1x1x3200xi32, #tpu.memory_space<vmem>>, %arg7: memref<56x64xf32, #tpu.memory_space<vmem>>, %arg8: memref<56x64xf32, #tpu.memory_space<vmem>>, %arg9: memref<520x64xf32, #tpu.memory_space<vmem>>, %arg10: memref<520x64xf32, #tpu.memory_space<vmem>>, %arg11: memref<8x16xf32, #tpu.memory_space<vmem>>, %arg12: memref<16x200x572xf32, #tpu.memory_space<vmem>>) attributes {dimension_semantics = [#tpu.dimension_semantics<arbitrary>], iteration_bounds = array<i64: 64>, scalar_prefetch = 0 : i64, scratch_operands = 0 : i64, tpu.core_type = #tpu.core_type<tc>, window_params = [{transform_indices = @transform_0, window_bounds = array<i64: 16, 200, 384>}, {transform_indices = @transform_1, window_bounds = array<i64: 1, 1, 3200>}, {transform_indices = @transform_2, window_bounds = array<i64: 1, 1, 3200>}, {transform_indices = @transform_3, window_bounds = array<i64: 1, 1, 3200>}, {transform_indices = @transform_4, window_bounds = array<i64: 1, 1, 3200>}, {transform_indices = @transform_5, window_bounds = array<i64: 1, 1, 3200>}, {pipeline_mode = #tpu.pipeline_mode<synchronous>, transform_indices = @transform_6, window_bounds = array<i64: 56, 64>}, {pipeline_mode = #tpu.pipeline_mode<synchronous>, transform_indices = @transform_7, window_bounds = array<i64: 56, 64>}, {pipeline_mode = #tpu.pipeline_mode<synchronous>, transform_indices = @transform_8, window_bounds = array<i64: 520, 64>}, {pipeline_mode = #tpu.pipeline_mode<synchronous>, transform_indices = @transform_9, window_bounds = array<i64: 520, 64>}, {pipeline_mode = #tpu.pipeline_mode<synchronous>, transform_indices = @transform_10, window_bounds = array<i64: 8, 16>}, {transform_indices = @transform_11, window_bounds = array<i64: 16, 200, 572>}]} {
    %get3A = arith.constant 0 : index
    %get3A_0 = arith.constant 0 : index
    %get3A_1 = arith.constant 0 : index
    %get3A_2 = vector.load %arg1[%get3A, %get3A_0, %get3A_1] : memref<16x200x384xf32, #tpu.memory_space<vmem>>, vector<16x200x384xf32>
    %slice3A = vector.extract_strided_slice %get3A_2 {offsets = [0, 0, 0], sizes = [16, 200, 300], strides = [1, 1, 1]} : vector<16x200x384xf32> to vector<16x200x300xf32>
    %reshape3A = vector.shape_cast %slice3A : vector<16x200x300xf32> to vector<3200x300xf32>
    %get3A_3 = arith.constant 0 : index
    %get3A_4 = arith.constant 0 : index
    %get3A_5 = arith.constant 0 : index
    %get3A_6 = vector.load %arg2[%get3A_3, %get3A_4, %get3A_5] : memref<1x1x3200xi32, #tpu.memory_space<vmem>>, vector<1x1x3200xi32>
    %reshape3A_7 = vector.shape_cast %get3A_6 : vector<1x1x3200xi32> to vector<3200xi32>
    %broadcast_in_dim3A = vector.shape_cast %reshape3A_7 : vector<3200xi32> to vector<1x3200xi32>
    %broadcast_in_dim3A_8 = vector.broadcast %broadcast_in_dim3A : vector<1x3200xi32> to vector<8x3200xi32>
    %iota3A = tpu.iota {dimensions = array<i32: 0>} : vector<8x3200xi32>
    %eq3A = arith.cmpi eq, %broadcast_in_dim3A_8, %iota3A : vector<8x3200xi32>
    %convert_element_type3A = arith.extui %eq3A : vector<8x3200xi1> to vector<8x3200xi32>
    %convert_element_type3A_9 = arith.sitofp %convert_element_type3A : vector<8x3200xi32> to vector<8x3200xf32>
    %convert_element_type3A_10 = arith.truncf %convert_element_type3A_9 : vector<8x3200xf32> to vector<8x3200xbf16>
    %get3A_11 = arith.constant 0 : index
    %get3A_12 = arith.constant 0 : index
    %get3A_13 = vector.load %arg11[%get3A_11, %get3A_12] : memref<8x16xf32, #tpu.memory_space<vmem>>, vector<8x16xf32>
    %convert_element_type3A_14 = arith.truncf %get3A_13 : vector<8x16xf32> to vector<8x16xbf16>
    %dot_general3A = arith.constant dense<0.000000e+00> : vector<3200x16xf32>
    %dot_general3A_15 = tpu.matmul %convert_element_type3A_10, %convert_element_type3A_14, %dot_general3A {dimension_numbers = #tpu.dot_dimension_numbers<[0], [0], [1], [1], [0, 1, 1, 1], [], []>, transpose_lhs_hint = true} : vector<8x3200xbf16>, vector<8x16xbf16>, vector<3200x16xf32> -> vector<3200x16xf32>
    %get3A_16 = arith.constant 0 : index
    %get3A_17 = arith.constant 0 : index
    %get3A_18 = arith.constant 0 : index
    %get3A_19 = vector.load %arg3[%get3A_16, %get3A_17, %get3A_18] : memref<1x1x3200xi32, #tpu.memory_space<vmem>>, vector<1x1x3200xi32>
    %reshape3A_20 = vector.shape_cast %get3A_19 : vector<1x1x3200xi32> to vector<3200xi32>
    %broadcast_in_dim3A_21 = vector.shape_cast %reshape3A_20 : vector<3200xi32> to vector<1x3200xi32>
    %broadcast_in_dim3A_22 = vector.broadcast %broadcast_in_dim3A_21 : vector<1x3200xi32> to vector<56x3200xi32>
    %iota3A_23 = tpu.iota {dimensions = array<i32: 0>} : vector<56x3200xi32>
    %eq3A_24 = arith.cmpi eq, %broadcast_in_dim3A_22, %iota3A_23 : vector<56x3200xi32>
    %convert_element_type3A_25 = arith.extui %eq3A_24 : vector<56x3200xi1> to vector<56x3200xi32>
    %convert_element_type3A_26 = arith.sitofp %convert_element_type3A_25 : vector<56x3200xi32> to vector<56x3200xf32>
    %convert_element_type3A_27 = arith.truncf %convert_element_type3A_26 : vector<56x3200xf32> to vector<56x3200xbf16>
    %get3A_28 = arith.constant 0 : index
    %get3A_29 = arith.constant 0 : index
    %get3A_30 = vector.load %arg7[%get3A_28, %get3A_29] : memref<56x64xf32, #tpu.memory_space<vmem>>, vector<56x64xf32>
    %convert_element_type3A_31 = arith.truncf %get3A_30 : vector<56x64xf32> to vector<56x64xbf16>
    %dot_general3A_32 = arith.constant dense<0.000000e+00> : vector<3200x64xf32>
    %dot_general3A_33 = tpu.matmul %convert_element_type3A_27, %convert_element_type3A_31, %dot_general3A_32 {dimension_numbers = #tpu.dot_dimension_numbers<[0], [0], [1], [1], [0, 1, 1, 1], [], []>, transpose_lhs_hint = true} : vector<56x3200xbf16>, vector<56x64xbf16>, vector<3200x64xf32> -> vector<3200x64xf32>
    %get3A_34 = arith.constant 0 : index
    %get3A_35 = arith.constant 0 : index
    %get3A_36 = arith.constant 0 : index
    %get3A_37 = vector.load %arg4[%get3A_34, %get3A_35, %get3A_36] : memref<1x1x3200xi32, #tpu.memory_space<vmem>>, vector<1x1x3200xi32>
    %reshape3A_38 = vector.shape_cast %get3A_37 : vector<1x1x3200xi32> to vector<3200xi32>
    %broadcast_in_dim3A_39 = vector.shape_cast %reshape3A_38 : vector<3200xi32> to vector<1x3200xi32>
    %broadcast_in_dim3A_40 = vector.broadcast %broadcast_in_dim3A_39 : vector<1x3200xi32> to vector<520x3200xi32>
    %iota3A_41 = tpu.iota {dimensions = array<i32: 0>} : vector<520x3200xi32>
    %eq3A_42 = arith.cmpi eq, %broadcast_in_dim3A_40, %iota3A_41 : vector<520x3200xi32>
    %convert_element_type3A_43 = arith.extui %eq3A_42 : vector<520x3200xi1> to vector<520x3200xi32>
    %convert_element_type3A_44 = arith.sitofp %convert_element_type3A_43 : vector<520x3200xi32> to vector<520x3200xf32>
    %convert_element_type3A_45 = arith.truncf %convert_element_type3A_44 : vector<520x3200xf32> to vector<520x3200xbf16>
    %get3A_46 = arith.constant 0 : index
    %get3A_47 = arith.constant 0 : index
    %get3A_48 = vector.load %arg9[%get3A_46, %get3A_47] : memref<520x64xf32, #tpu.memory_space<vmem>>, vector<520x64xf32>
    %convert_element_type3A_49 = arith.truncf %get3A_48 : vector<520x64xf32> to vector<520x64xbf16>
    %dot_general3A_50 = arith.constant dense<0.000000e+00> : vector<3200x64xf32>
    %dot_general3A_51 = tpu.matmul %convert_element_type3A_45, %convert_element_type3A_49, %dot_general3A_50 {dimension_numbers = #tpu.dot_dimension_numbers<[0], [0], [1], [1], [0, 1, 1, 1], [], []>, transpose_lhs_hint = true} : vector<520x3200xbf16>, vector<520x64xbf16>, vector<3200x64xf32> -> vector<3200x64xf32>
    %get3A_52 = arith.constant 0 : index
    %get3A_53 = arith.constant 0 : index
    %get3A_54 = arith.constant 0 : index
    %get3A_55 = vector.load %arg5[%get3A_52, %get3A_53, %get3A_54] : memref<1x1x3200xi32, #tpu.memory_space<vmem>>, vector<1x1x3200xi32>
    %reshape3A_56 = vector.shape_cast %get3A_55 : vector<1x1x3200xi32> to vector<3200xi32>
    %broadcast_in_dim3A_57 = vector.shape_cast %reshape3A_56 : vector<3200xi32> to vector<1x3200xi32>
    %broadcast_in_dim3A_58 = vector.broadcast %broadcast_in_dim3A_57 : vector<1x3200xi32> to vector<520x3200xi32>
    %iota3A_59 = tpu.iota {dimensions = array<i32: 0>} : vector<520x3200xi32>
    %eq3A_60 = arith.cmpi eq, %broadcast_in_dim3A_58, %iota3A_59 : vector<520x3200xi32>
    %convert_element_type3A_61 = arith.extui %eq3A_60 : vector<520x3200xi1> to vector<520x3200xi32>
    %convert_element_type3A_62 = arith.sitofp %convert_element_type3A_61 : vector<520x3200xi32> to vector<520x3200xf32>
    %convert_element_type3A_63 = arith.truncf %convert_element_type3A_62 : vector<520x3200xf32> to vector<520x3200xbf16>
    %get3A_64 = arith.constant 0 : index
    %get3A_65 = arith.constant 0 : index
    %get3A_66 = vector.load %arg10[%get3A_64, %get3A_65] : memref<520x64xf32, #tpu.memory_space<vmem>>, vector<520x64xf32>
    %convert_element_type3A_67 = arith.truncf %get3A_66 : vector<520x64xf32> to vector<520x64xbf16>
    %dot_general3A_68 = arith.constant dense<0.000000e+00> : vector<3200x64xf32>
    %dot_general3A_69 = tpu.matmul %convert_element_type3A_63, %convert_element_type3A_67, %dot_general3A_68 {dimension_numbers = #tpu.dot_dimension_numbers<[0], [0], [1], [1], [0, 1, 1, 1], [], []>, transpose_lhs_hint = true} : vector<520x3200xbf16>, vector<520x64xbf16>, vector<3200x64xf32> -> vector<3200x64xf32>
    %get3A_70 = arith.constant 0 : index
    %get3A_71 = arith.constant 0 : index
    %get3A_72 = arith.constant 0 : index
    %get3A_73 = vector.load %arg6[%get3A_70, %get3A_71, %get3A_72] : memref<1x1x3200xi32, #tpu.memory_space<vmem>>, vector<1x1x3200xi32>
    %reshape3A_74 = vector.shape_cast %get3A_73 : vector<1x1x3200xi32> to vector<3200xi32>
    %broadcast_in_dim3A_75 = vector.shape_cast %reshape3A_74 : vector<3200xi32> to vector<1x3200xi32>
    %broadcast_in_dim3A_76 = vector.broadcast %broadcast_in_dim3A_75 : vector<1x3200xi32> to vector<56x3200xi32>
    %iota3A_77 = tpu.iota {dimensions = array<i32: 0>} : vector<56x3200xi32>
    %eq3A_78 = arith.cmpi eq, %broadcast_in_dim3A_76, %iota3A_77 : vector<56x3200xi32>
    %convert_element_type3A_79 = arith.extui %eq3A_78 : vector<56x3200xi1> to vector<56x3200xi32>
    %convert_element_type3A_80 = arith.sitofp %convert_element_type3A_79 : vector<56x3200xi32> to vector<56x3200xf32>
    %convert_element_type3A_81 = arith.truncf %convert_element_type3A_80 : vector<56x3200xf32> to vector<56x3200xbf16>
    %get3A_82 = arith.constant 0 : index
    %get3A_83 = arith.constant 0 : index
    %get3A_84 = vector.load %arg8[%get3A_82, %get3A_83] : memref<56x64xf32, #tpu.memory_space<vmem>>, vector<56x64xf32>
    %convert_element_type3A_85 = arith.truncf %get3A_84 : vector<56x64xf32> to vector<56x64xbf16>
    %dot_general3A_86 = arith.constant dense<0.000000e+00> : vector<3200x64xf32>
    %dot_general3A_87 = tpu.matmul %convert_element_type3A_81, %convert_element_type3A_85, %dot_general3A_86 {dimension_numbers = #tpu.dot_dimension_numbers<[0], [0], [1], [1], [0, 1, 1, 1], [], []>, transpose_lhs_hint = true} : vector<56x3200xbf16>, vector<56x64xbf16>, vector<3200x64xf32> -> vector<3200x64xf32>
    %concatenate3A = tpu.concatenate %reshape3A, %dot_general3A_15, %dot_general3A_33, %dot_general3A_51, %dot_general3A_69, %dot_general3A_87 in 1 : vector<3200x300xf32>, vector<3200x16xf32>, vector<3200x64xf32>, vector<3200x64xf32>, vector<3200x64xf32>, vector<3200x64xf32> -> vector<3200x572xf32>
    %reshape3A_88 = vector.shape_cast %concatenate3A : vector<3200x572xf32> to vector<16x200x572xf32>
    %swap3A = arith.constant 0 : index
    %swap3A_89 = arith.constant 0 : index
    %swap3A_90 = arith.constant 0 : index
    %swap3A_91 = vector.load %arg12[%swap3A, %swap3A_89, %swap3A_90] : memref<16x200x572xf32, #tpu.memory_space<vmem>>, vector<16x200x572xf32>
    tpu.vector_store %arg12[%swap3A, %swap3A_89, %swap3A_90], %reshape3A_88 {strides = array<i32>} : memref<16x200x572xf32, #tpu.memory_space<vmem>>, vector<16x200x572xf32>,
    return
  }
  func.func @transform_0(%arg0: i32) -> (i32, i32, i32) {
    %c0_i32 = arith.constant 0 : i32
    %c0_i32_0 = arith.constant 0 : i32
    %c0_i32_1 = arith.constant 0 : i32
    return %arg0, %c0_i32, %c0_i32_0 : i32, i32, i32
  }
  func.func @transform_1(%arg0: i32) -> (i32, i32, i32) {
    %c0_i32 = arith.constant 0 : i32
    %c0_i32_0 = arith.constant 0 : i32
    %c0_i32_1 = arith.constant 0 : i32
    return %arg0, %c0_i32, %c0_i32_0 : i32, i32, i32
  }
  func.func @transform_2(%arg0: i32) -> (i32, i32, i32) {
    %c0_i32 = arith.constant 0 : i32
    %c0_i32_0 = arith.constant 0 : i32
    %c0_i32_1 = arith.constant 0 : i32
    return %arg0, %c0_i32, %c0_i32_0 : i32, i32, i32
  }
  func.func @transform_3(%arg0: i32) -> (i32, i32, i32) {
    %c0_i32 = arith.constant 0 : i32
    %c0_i32_0 = arith.constant 0 : i32
    %c0_i32_1 = arith.constant 0 : i32
    return %arg0, %c0_i32, %c0_i32_0 : i32, i32, i32
  }
  func.func @transform_4(%arg0: i32) -> (i32, i32, i32) {
    %c0_i32 = arith.constant 0 : i32
    %c0_i32_0 = arith.constant 0 : i32
    %c0_i32_1 = arith.constant 0 : i32
    return %arg0, %c0_i32, %c0_i32_0 : i32, i32, i32
  }
  func.func @transform_5(%arg0: i32) -> (i32, i32, i32) {
    %c0_i32 = arith.constant 0 : i32
    %c0_i32_0 = arith.constant 0 : i32
    %c0_i32_1 = arith.constant 0 : i32
    return %arg0, %c0_i32, %c0_i32_0 : i32, i32, i32
  }
  func.func @transform_6(%arg0: i32) -> (i32, i32) {
    %c0_i32 = arith.constant 0 : i32
    %c0_i32_0 = arith.constant 0 : i32
    %c0_i32_1 = arith.constant 0 : i32
    return %c0_i32, %c0_i32_0 : i32, i32
  }
  func.func @transform_7(%arg0: i32) -> (i32, i32) {
    %c0_i32 = arith.constant 0 : i32
    %c0_i32_0 = arith.constant 0 : i32
    %c0_i32_1 = arith.constant 0 : i32
    return %c0_i32, %c0_i32_0 : i32, i32
  }
  func.func @transform_8(%arg0: i32) -> (i32, i32) {
    %c0_i32 = arith.constant 0 : i32
    %c0_i32_0 = arith.constant 0 : i32
    %c0_i32_1 = arith.constant 0 : i32
    return %c0_i32, %c0_i32_0 : i32, i32
  }
  func.func @transform_9(%arg0: i32) -> (i32, i32) {
    %c0_i32 = arith.constant 0 : i32
    %c0_i32_0 = arith.constant 0 : i32
    %c0_i32_1 = arith.constant 0 : i32
    return %c0_i32, %c0_i32_0 : i32, i32
  }
  func.func @transform_10(%arg0: i32) -> (i32, i32) {
    %c0_i32 = arith.constant 0 : i32
    %c0_i32_0 = arith.constant 0 : i32
    %c0_i32_1 = arith.constant 0 : i32
    return %c0_i32, %c0_i32_0 : i32, i32
  }
  func.func @transform_11(%arg0: i32) -> (i32, i32, i32) {
    %c0_i32 = arith.constant 0 : i32
    %c0_i32_0 = arith.constant 0 : i32
    %c0_i32_1 = arith.constant 0 : i32
    return %arg0, %c0_i32, %c0_i32_0 : i32, i32, i32
  }
}

</mosaic_0001>

<sc_bundles>
// kernel: kernel.5.cloned.1.call-start
scs
__scs_entry_jumppad:
0x0: {  	(pc) =	sbr.rel $0x88, $3  }
0x1: {  	(tag) =	ssettag $0x0;
	lr =	simm.s32 $0x1  }
0x2: {  	[smem:$0x3F94] =	sst lr;
	_ =	strace $0xD0000000  }
0x3: {  	_ = 	snop  }
0x4: {  	_ = 	snop  }
0x5: {  	_ = 	snop  }
0x6: {  	_ = 	snop  }
0x7: {  	_ = 	snop  }
__scs_overlays_trampoline_lowered:
0x8: {  	[smem:$0x3FA3] =	sst s0  }
0x9: {  	[smem:$0x3FA4] =	sst s1  }
0xa: {  	[smem:$0x3FA5] =	sst s2  }
0xb: {  	[smem:$0x3FA6] =	sst s3  }
0xc: {  	[smem:$0x3FA7] =	sst s4  }
0xd: {  	[smem:$0x3FA8] =	sst s5  }
0xe: {  	[smem:$0x3FA9] =	sst s6  }
0xf: {  	[smem:$0x3FAA] =	sst s7  }
0x10: {  	[smem:$0x3FAB] =	sst s8  }
0x11: {  	[smem:$0x3FAC] =	sst s9;
	s0 =	simm.s32 @!p0 $0x0  }
0x12: {  	s1 =	sld [smem:$0x3F92];
	s0 =	simm.s32 @p0 $0x1  }
0x13: {  	[smem:$0x3FAD] =	sst s0;
	s0 =	simm.s32 @!p1 $0x0  }
0x14: {  	s2 =	sld [smem:$0x3F91];
	s0 =	simm.s32 @p1 $0x1  }
0x15: {  	[smem:$0x3FAE] =	sst s0;
	s0 =	simm.s32 @!p2 $0x0  }
0x16: {  	s3 =	sld [smem:$0x3FDB];
	s0 =	simm.s32 @p2 $0x1  }
0x17: {  	s4 =	simm.s32 $0x1BF5;
	[smem:$0x3FB0] =	sst s0  }
0x18: {  	s0 =	sld [smem:$0x3F93];
	_ =	swait.ge [sflag:s4], $0x0  }
0x19: {  	s7 =	sld [smem:$0x3F94]  }
0x1a: {  	s8 =	sadd.s32 $0xFFFFE003, lr  }
0x1b: {  	s9 =	sadd.s32 $0xFFFFFEF7, lr;
	s5 =	simm.s32 $0xFFFFFFFF;
	p2 =	slt.u32 s8, $0xFFFFF086  }
0x1c: {  	p1 =	slt.u32 s9, $0xF7A;
	s5 =	simm.s32 @!p2 $0x0  }
0x1d: {  	s5 =	simm.s32 @p1 $0x1;
	p0 =	seq.s32 s7, s2  }
0x1e: {  	s7 =	smul.u32 @!p0 $0xF7A, s2;
	p2 =	seq.s32 @!p0 s5, $0x0  }
0x1f: {  	s9 =	smul.u32 $0xF7A, s1;
	s8 =	simm.s32 @!p0 $0x1BF5;
	p2 =	por !p2, p0  }
0x20: {  	[sflag:s8] =	ssyncset.s32 @!p0 $0xFFFFF086;
	s6 =	sadd.s32 @!p0 s3, s7;
	s7 =	simm.s32 @!p0 $0x108  }
0x21: {  	s3 =	sadd.s32 s3, s9;
	s6 =	sadd.s32 @!p0 $0x88, s6;
	s7 =	simm.s32 @p2 $0x1082  }
0x22: {  	[simem:s7], [sflag:s8] =	dma.local @!p0 [hbm:s6], $0xF7A  }
0x23: {  	s9 =	sor.u32 $0xD0000000, s2;
	s6 =	simm.s32 $0x108;
	_ =	swait.ge @!p0 [sflag:s8], $0x0  }
0x24: {  	s3 =	sadd.s32 $0x88, s3;
	s6 =	simm.s32 @!p1 $0x1082;
	[sflag:s4] =	ssyncset.s32 $0xFFFFF086  }
0x25: {  	[simem:s6], [sflag:s4] =	dma.local [hbm:s3], $0xF7A  }
0x26: {  	[smem:$0x3F94] =	sst s1;
	(tag) =	ssettag s2;
	_ =	strace s9  }
0x27: {  	s1 =	sld [smem:$0x3FA4]  }
0x28: {  	s2 =	sld [smem:$0x3FA5]  }
0x29: {  	s4 =	sld [smem:$0x3FA7]  }
0x2a: {  	p0 =	seq.s32 s5, $0x0;
	s5 =	sld [smem:$0x3FA8]  }
0x2b: {  	s6 =	sld [smem:$0x3FA9]  }
0x2c: {  	s7 =	sld [smem:$0x3FAA]  }
0x2d: {  	s3 =	simm.s32 $0x108;
	s8 =	sld [smem:$0x3FAB]  }
0x2e: {  	s3 =	simm.s32 @!p0 $0x1082;
	s9 =	sld [smem:$0x3FAC]  }
0x2f: {  	lr =	sadd.s32 s0, s3;
	s0 =	sld [smem:$0x3FA3]  }
0x30: {  	s3 =	sld [smem:$0x3FA6]  }
0x31: {  	[smem:$0x3FAF] =	sst s10  }
0x32: {  	s10 =	sld [smem:$0x3FAD];
	_ =	sdelay $0x3  }
0x33: {  	p0 =	seq.s32 s10, $0x1;
	s10 =	sld [smem:$0x3FAF];
	_ =	sdelay $0x3  }
0x34: {  	[smem:$0x3FAF] =	sst s10  }
0x35: {  	s10 =	sld [smem:$0x3FAE];
	_ =	sdelay $0x3  }
0x36: {  	p1 =	seq.s32 s10, $0x1;
	s10 =	sld [smem:$0x3FAF];
	_ =	sdelay $0x3  }
0x37: {  	[smem:$0x3FAF] =	sst s10  }
0x38: {  	s10 =	sld [smem:$0x3FB0]  }
0x39: {  	_ = 	snop;
	(pc) =	sbr.ind lr, $3  }
0x3a: {  	_ = 	snop  }
0x3b: {  	_ = 	snop  }
0x3c: {  	p2 =	seq.s32 s10, $0x1;
	s10 =	sld [smem:$0x3FAF]  }
0x3d: {  	_ =	shalt  }
0x3e: {  	_ =	shalt  }
0x3f: {  	_ =	shalt  }
0x40: {  	_ =	shalt  }
0x41: {  	_ =	shalt  }
0x42: {  	_ =	shalt  }
0x43: {  	_ =	shalt  }
0x44: {  	_ =	shalt  }
0x45: {  	_ =	shalt  }
0x46: {  	_ =	shalt  }
0x47: {  	_ =	shalt  }
0x48: {  	_ =	shalt  }
0x49: {  	_ =	shalt  }
0x4a: {  	_ =	shalt  }
0x4b: {  	_ =	shalt  }
0x4c: {  	_ =	shalt  }
0x4d: {  	_ =	shalt  }
0x4e: {  	_ =	shalt  }
0x4f: {  	_ =	shalt  }
0x50: {  	_ =	shalt  }
0x51: {  	_ =	shalt  }
0x52: {  	_ =	shalt  }
0x53: {  	_ =	shalt  }
0x54: {  	_ =	shalt  }
0x55: {  	_ =	shalt  }
0x56: {  	_ =	shalt  }
0x57: {  	_ =	shalt  }
0x58: {  	_ =	shalt  }
0x59: {  	_ =	shalt  }
0x5a: {  	_ =	shalt  }
0x5b: {  	_ =	shalt  }
0x5c: {  	_ =	shalt  }
0x5d: {  	_ =	shalt  }
0x5e: {  	_ =	shalt  }
0x5f: {  	_ =	shalt  }
0x60: {  	_ =	shalt  }
0x61: {  	_ =	shalt  }
0x62: {  	_ =	shalt  }
0x63: {  	_ =	shalt  }
0x64: {  	_ =	shalt  }
0x65: {  	_ =	shalt  }
0x66: {  	_ =	shalt  }
0x67: {  	_ =	shalt  }
0x68: {  	_ =	shalt  }
0x69: {  	_ =	shalt  }
0x6a: {  	_ =	shalt  }
0x6b: {  	_ =	shalt  }
0x6c: {  	_ =	shalt  }
0x6d: {  	_ =	shalt  }
0x6e: {  	_ =	shalt  }
0x6f: {  	_ =	shalt  }
0x70: {  	_ =	shalt  }
0x71: {  	_ =	shalt  }
0x72: {  	_ =	shalt  }
0x73: {  	_ =	shalt  }
0x74: {  	_ =	shalt  }
0x75: {  	_ =	shalt  }
0x76: {  	_ =	shalt  }
0x77: {  	_ =	shalt  }
0x78: {  	_ =	shalt  }
0x79: {  	_ =	shalt  }
0x7a: {  	_ =	shalt  }
0x7b: {  	_ =	shalt  }
0x7c: {  	_ =	shalt  }
0x7d: {  	_ =	shalt  }
0x7e: {  	_ =	shalt  }
0x7f: {  	_ =	shalt  }
0x80: {  	_ =	shalt  }
0x81: {  	_ =	shalt  }
0x82: {  	_ =	shalt  }
0x83: {  	_ =	shalt  }
0x84: {  	_ =	shalt  }
0x85: {  	_ =	shalt  }
0x86: {  	_ =	shalt  }
0x87: {  	_ =	shalt  }
.Lfunc_end0:
.L_simem_size_0:
called_computation_lowered:
.L_overlay_start_0:
0x88: {  	s2 =	sld [smem:$0x3FD9]  }
0x89: {  	s3 =	sld [smem:$0x3FFE];
	_ =	sdelay $0x1  }
0x8a: {  	s1 =	srdreg.scid  }
0x8b: {  	s0 =	sand.u32 $0x1, s1  }
0x8c: {  	s17 =	sshll.u32 s0, $0xA;
	s2 =	sadd.s32 s3, s2  }
0x8d: {  	s2 =	sadd.s32 s2, s17  }
0x8e: {  	[smem:$0x3FBB] =	sst s2  }
0x8f: {  	_ = 	snop  }
0x90: {  	s2 =	sld [smem:$0x3FD0];
	(tm) =	ssettm $0x1  }
0x91: {  	s18 =	sld [smem:$0x3FFB];
	_ =	sdelay $0x3  }
0x92: {  	_ =	strace s18  }
0x93: {  	s3 =	sld [smem:$0x3FFC];
	_ =	sdelay $0x3  }
0x94: {  	_ =	strace s3  }
0x95: {  	s3 =	sld [smem:$0x3FFD];
	_ =	sdelay $0x3  }
0x96: {  	_ =	strace s3  }
0x97: {  	_ =	strace $0x8FFFFFFF  }
0x98: {  	s19 =	sld [smem:$0x3FDB];
	_ =	sdelay $0x1  }
0x99: {  	s4 =	simm.s32 $_scs_section_size  }
0x9a: {  	s5 =	simm.s32 $_size__tile_overlayer_lowered;
	s6 =	simm.s32 $_tile_overlayer_lowered  }
0x9b: {  	s22 =	simm.s32 $0x1BFF;
	s21 =	sshll.u32 s6, $0x1;
	s3 =	sadd.s32 s4, s19  }
0x9c: {  	s7 =	simm.s32 $0x0;
	s20 =	sshll.u32 s5, $0x1;
	s5 =	sadd.s32 s21, s3  }
0x9d: {  	[timem:s7], [sflag:s22] =	dma.local [hbm:s5], s20  }
0x9e: {  	_ =	swait.ge [sflag:s22], s20  }
0x9f: {  	s4 =	ssub.s32 $0x0, s20;
	[sflag:s22] =	ssyncset.done $0x0  }
0xa0: {  	[sflag:s22] =	ssyncadd.s32 s4;
	_ =	sdelay $0x1  }
0xa1: {  	s23 =	simm.s32 $0x1B8B  }
0xa2: {  	_ =	swait.ge [sflag:s23], $0x1  }
0xa3: {  	[sflag:s23] =	ssyncset.done $0x0  }
0xa4: {  	s25 =	simm.s32 $0x1B8E;
	s24 =	sld [smem:$0x3FFE];
	[sflag:s23] =	ssyncadd.s32 $0xFFFFFFFF  }
0xa5: {  	s26 =	simm.s32 $execute0_lowered;
	[smem:$0x3FD2] =	sst s25  }
0xa6: {  	s5 =	sshll.u32 s26, $0x1;
	_ =	strace $0x80000046;
	[dreg:$0x1] =	wrdreg $0xFFFFFFFF  }
0xa7: {  	s28 =	simm.s32 $_size_execute0_lowered;
	s3 =	sadd.s32 s3, s5;
	[dreg:$0x0] =	wrdreg $0x0  }
0xa8: {  	s5 =	sshll.u32 s28, $0x1;
	[dreg:$0x2] =	wrdreg s3  }
0xa9: {  	[dreg:$0x3] =	wrdreg s5  }
0xaa: {  	[dreg:$0x4] =	wrdreg $0xC0  }
0xab: {  	_ =	task [dreg:s7], $0x5FFFF  }
0xac: {  	[dreg:$0x1] =	wrdreg $0xFFFFFFFF  }
0xad: {  	[dreg:$0x0] =	wrdreg $0x60  }
0xae: {  	[dreg:$0x2] =	wrdreg s24  }
0xaf: {  	[dreg:$0x3] =	wrdreg s2  }
0xb0: {  	[dreg:$0x4] =	wrdreg $0x9  }
0xb1: {  	_ =	task.clear_ibuf [dreg:s7], $0x5FFFF;
	_ =	strace $0x90000046  }
0xb2: {  	s29 =	simm.s32 $0x9;
	_ =	strace $0x80000048  }
0xb3: {  	_ =	swait.ge [sflag:s29], $0x1  }
0xb4: {  	[sflag:s29] =	ssyncadd.s32 $0xFFFFFFFF  }
0xb5: {  	_ =	strace $0x90000048  }
0xb6: {  	_ =	sfence  }
0xb7: {  	s30 =	sld [smem:$0x0];
	_ =	sdelay $0x2  }
0xb8: {  	s31 =	sshll.u32 s1, $0xD;
	s1 =	sshrl.u32 s1, $0x2  }
0xb9: {  	s3 =	sand.u32 $0x4000, s31;
	s1 =	sadd.s32 s1, s30  }
0xba: {  	s0 =	sor.u32 s3, s0;
	s1 =	sshll.u32 s1, $0x11  }
0xbb: {  	s0 =	sor.u32 s1, s0  }
0xbc: {  	s0 =	sadd.s32 $0x8F2B, s0  }
0xbd: {  	[sflag:s0] =	ssyncadd.remote.s32 $0x1  }
0xbe: {  	_ =	sfence.sel $0xFFFF  }
0xbf: {  	[dreg:$0x0] =	wrdreg $0xFFFFFFFF;
	(pc) =	sbr.abs _section_cstart, $3  }
0xc0: {  	[dreg:$0x1] =	wrdreg $0xFFFFFFFF  }
0xc1: {  	_ =	task.clear_ibuf [dreg:s7], $0x2FFFF;
	_ =	strace $0x9FFFFFFF  }
0xc2: {  	(tm) =	ssettm $0x7FFFFFFF  }
0xc3: {  	_ =	shalt  }
tec
execute0_lowered:
.L_overlay_start_1:
0x0: {  	(tag) =	ssettag $0x1  }
0x1: {  	s4 =	rddreg [dreg:$0x0]  }
0x2: {  	s2 =	rddreg [dreg:$0x1]  }
0x3: {  	s0 =	rddreg [dreg:$0x2];
	s3 =	simm.s32 $0x0  }
0x4: {  	s1 =	stileid.u32;
	s5 =	srdreg.scid;
	s13 =	simm.s32 $0x2A0  }
0x5: {  	s14 =	simm.s32 $0x70;
	s15 =	simm.s32 $0x230;
	s16 =	simm.s32 $0x92A0  }
0x6: {  	s17 =	simm.s32 $0x1;
	s18 =	simm.s32 $0x2;
	s7 =	smul.u32 $0x640, s1  }
0x7: {  	s19 =	simm.s32 $0x3;
	s20 =	simm.s32 $0x0;
	s10 =	smul.u32 $0x4B0000, s1  }
0x8: {  	[smem:$0x7FF] =	sst s3;
	s8 =	sand.u32 $0x1, s5;
	s31 =	smul.u32 $0x96000, s1  }
0x9: {  	s6 =	sshll.u32 s1, $0xB;
	s11 =	sadd.s32 $0x11000, s4;
	s29 =	smul.u32 $0x258000, s8  }
0xa: {  	_ =	strace $0x80000047;
	s25 =	sadd.s32 s6, s4;
	s12 =	smul.u32 $0x320, s8  }
0xb: {  	s26 =	ssub.s32 $0x2, s8;
	s30 =	sshll.u32 s8, $0xA;
	s8 =	smul.u32 $0x4B000, s8  }
0xc: {  	s7 =	sadd.s32 s7, s4;
	s9 =	sshrl.u32 s26, $0x1;
	s5 =	sadd.s32 s30, s25  }
0xd: {  	s28 =	ssub.s32 s26, s9;
	s6 =	sadd.s32 s29, s10;
	s5 =	sadd.s32 $0x2C00, s5  }
0xe: {  	s7 =	sadd.s32 s12, s7;
	s9 =	sadd.s32 s31, s11;
	s10 =	simm.s32 $0x100  }
0xf: {  	s12 =	simm.s32 $0x1D0;
	s4 =	smax.u32 s28, $0x1;
	s6 =	sadd.s32 $0x9000, s6  }
0x10: {  	s7 =	sadd.s32 $0xAC00, s7;
	s8 =	sadd.s32 s8, s9;
	s6 =	sshrl.u32 s6, $0x3  }
0x11: {  	v0 =	vimm.s32 $0x0;
	s9 =	simm.s32 $0x4;
	s6 =	sadd.s32 s6, s11;
	s11 =	simm.s32 $0x60  }
.LBB2_1:
0x12: {  	[tilespmem:$0x1C0] =	vst v0  }
0x13: {  	[tilespmem:s3], [sflag:$0x4] =	stream.linear.gather [hbm4b:s5+s3], $0x100, $0x38;
	[tilespmem:$0x13AA0] =	vst v63  }
0x14: {  	_ =	swait.ge [sflag:s9], $0x100  }
0x15: {  	[sflag:s9] =	ssyncset.done $0x0  }
0x16: {  	[sflag:s9] =	ssyncadd.s32 $0xFFFFFF00  }
0x17: {  	[tilespmem:s10], [sflag:$0x4] =	stream.linear.gather [hbm4b:s7+s3], $0xC8, $0x38;
	[tilespmem:$0x13AA0] =	vst v63  }
0x18: {  	_ =	swait.ge [sflag:s9], $0xC8  }
0x19: {  	[sflag:s9] =	ssyncset.done $0x0  }
0x1a: {  	[sflag:s9] =	ssyncadd.s32 $0xFFFFFF38  }
0x1b: {  	v1 =	vld [tilespmem:$0x100];
	_ =	sdelay $0x5  }
0x1c: {  	v2 =	vld [tilespmem:$0x110];
	_ =	sdelay $0x1  }
0x1d: {  	v1 =	vld.idx.msk [tilespmem:v1+s3+$0x0], $0xffff;
	_ =	sdelay $0x3  }
0x1e: {  	v3 =	vld [tilespmem:$0x120]  }
0x1f: {  	[tilespmem:$0x1D0] =	vst v1  }
0x20: {  	v1 =	vld.idx.msk [tilespmem:v2+s3+$0x0], $0xffff;
	_ =	sdelay $0x3  }
0x21: {  	v2 =	vld [tilespmem:$0x130]  }
0x22: {  	[tilespmem:$0x1E0] =	vst v1  }
0x23: {  	v1 =	vld.idx.msk [tilespmem:v3+s3+$0x0], $0xffff;
	_ =	sdelay $0x3  }
0x24: {  	v3 =	vld [tilespmem:$0x140]  }
0x25: {  	[tilespmem:$0x1F0] =	vst v1  }
0x26: {  	v1 =	vld.idx.msk [tilespmem:v2+s3+$0x0], $0xffff;
	_ =	sdelay $0x3  }
0x27: {  	v2 =	vld [tilespmem:$0x150]  }
0x28: {  	[tilespmem:$0x200] =	vst v1  }
0x29: {  	v1 =	vld.idx.msk [tilespmem:v3+s3+$0x0], $0xffff;
	_ =	sdelay $0x3  }
0x2a: {  	v3 =	vld [tilespmem:$0x160]  }
0x2b: {  	[tilespmem:$0x210] =	vst v1  }
0x2c: {  	v1 =	vld.idx.msk [tilespmem:v2+s3+$0x0], $0xffff;
	_ =	sdelay $0x3  }
0x2d: {  	v2 =	vld [tilespmem:$0x170]  }
0x2e: {  	[tilespmem:$0x220] =	vst v1  }
0x2f: {  	v1 =	vld.idx.msk [tilespmem:v3+s3+$0x0], $0xffff;
	_ =	sdelay $0x3  }
0x30: {  	v3 =	vld [tilespmem:$0x180]  }
0x31: {  	[tilespmem:$0x230] =	vst v1  }
0x32: {  	v1 =	vld.idx.msk [tilespmem:v2+s3+$0x0], $0xffff;
	_ =	sdelay $0x3  }
0x33: {  	v2 =	vld [tilespmem:$0x190]  }
0x34: {  	[tilespmem:$0x240] =	vst v1  }
0x35: {  	v1 =	vld.idx.msk [tilespmem:v3+s3+$0x0], $0xffff;
	_ =	sdelay $0x3  }
0x36: {  	v3 =	vld [tilespmem:$0x1A0]  }
0x37: {  	[tilespmem:$0x250] =	vst v1  }
0x38: {  	v1 =	vld.idx.msk [tilespmem:v2+s3+$0x0], $0xffff;
	_ =	sdelay $0x3  }
0x39: {  	v2 =	vld [tilespmem:$0x1B0]  }
0x3a: {  	[tilespmem:$0x260] =	vst v1  }
0x3b: {  	v1 =	vld.idx.msk [tilespmem:v3+s3+$0x0], $0xffff;
	_ =	sdelay $0x3  }
0x3c: {  	v3 =	vld [tilespmem:$0x1C0]  }
0x3d: {  	[tilespmem:$0x270] =	vst v1  }
0x3e: {  	v1 =	vld.idx.msk [tilespmem:v2+s3+$0x0], $0xffff;
	_ =	sdelay $0x4  }
0x3f: {  	[tilespmem:$0x280] =	vst v1  }
0x40: {  	v1 =	vld.idx.msk [tilespmem:v3+s3+$0x0], $0xffff;
	_ =	sdelay $0x4  }
0x41: {  	[tilespmem:$0x290] =	vst v1  }
0x42: {  	[tilespmem:s13], [sflag:$0x1] =	stream.indirect.gather [hbm4b:s2+s11], $0x180, s12, s11, $0xb8;
	[tilespmem:$0x13AA0] =	vst v63  }
0x43: {  	_ = 	snop  }
0x44: {  	[tilespmem:s16], [sflag:$0x2] =	stream.indirect.gather [hbm4b:s2+s14], $0x180, s15, s14, $0xb8;
	[tilespmem:$0x13AA0] =	vst v63  }
0x45: {  	_ =	swait.ge [sflag:s17], $0x9000  }
0x46: {  	[sflag:s17] =	ssyncset.done $0x0  }
0x47: {  	s21 =	sadd.s32 $0x0, s8;
	[sflag:s17] =	ssyncadd.s32 $0xFFFF7000  }
0x48: {  	[hbm4b:s21+s3] =	stream.linear.scatter [tilespmem:s13], [sflag:$0x3], $0x9000, $0x38;
	[tilespmem:$0x13AA0] =	vst v63  }
0x49: {  	_ =	swait.ge [sflag:s18], $0xA800  }
0x4a: {  	[sflag:s18] =	ssyncset.done $0x0  }
0x4b: {  	s31 =	sadd.s32 $0x0, s6;
	[sflag:s18] =	ssyncadd.s32 $0xFFFF5800  }
0x4c: {  	[hbm4b:s31+s3] =	stream.linear.scatter [tilespmem:s16], [sflag:$0x3], $0x9C00, $0x38;
	[tilespmem:$0x13AA0] =	vst v63  }
0x4d: {  	_ =	swait.ge [sflag:s19], $0x9000  }
0x4e: {  	[sflag:s19] =	ssyncset.done $0x0  }
0x4f: {  	[sflag:s19] =	ssyncadd.s32 $0xFFFF7000  }
0x50: {  	s22 =	smov.u32 s5;
	_ =	swait.ge [sflag:s19], $0x9C00  }
0x51: {  	s23 =	smov.u32 s7;
	s21 =	simm.s32 $0x2580;
	[sflag:s19] =	ssyncset.done $0x0  }
.LBB2_2:
0x52: {  	[sflag:s19] =	ssyncadd.s32 $0xFFFF6400  }
0x53: {  	s22 =	sadd.s32 $0x20, s22;
	s23 =	sadd.s32 $0x19, s23;
	s24 =	smov.u32 s21  }
0x54: {  	[tilespmem:s3], [sflag:$0x4] =	stream.linear.gather [hbm4b:s22+s3], $0x100, $0x38;
	[tilespmem:$0x13AA0] =	vst v63  }
0x55: {  	p0 =	sne.s32 s21, $0x48A80;
	s21 =	sadd.s32 $0x2580, s21;
	_ =	swait.ge [sflag:s9], $0x100  }
0x56: {  	[sflag:s9] =	ssyncset.done $0x0  }
0x57: {  	[sflag:s9] =	ssyncadd.s32 $0xFFFFFF00  }
0x58: {  	[tilespmem:s10], [sflag:$0x4] =	stream.linear.gather [hbm4b:s23+s3], $0xC8, $0x38;
	[tilespmem:$0x13AA0] =	vst v63  }
0x59: {  	_ =	swait.ge [sflag:s9], $0xC8  }
0x5a: {  	[sflag:s9] =	ssyncset.done $0x0  }
0x5b: {  	[sflag:s9] =	ssyncadd.s32 $0xFFFFFF38  }
0x5c: {  	v1 =	vld [tilespmem:$0x100];
	_ =	sdelay $0x6  }
0x5d: {  	v2 =	vld [tilespmem:$0x110]  }
0x5e: {  	v1 =	vld.idx.msk [tilespmem:v1+s3+$0x0], $0xffff;
	_ =	sdelay $0x5  }
0x5f: {  	[tilespmem:$0x1D0] =	vst v1;
	v1 =	vld [tilespmem:$0x120]  }
0x60: {  	v2 =	vld.idx.msk [tilespmem:v2+s3+$0x0], $0xffff;
	_ =	sdelay $0x5  }
0x61: {  	[tilespmem:$0x1E0] =	vst v2;
	v2 =	vld [tilespmem:$0x130]  }
0x62: {  	v1 =	vld.idx.msk [tilespmem:v1+s3+$0x0], $0xffff;
	_ =	sdelay $0x5  }
0x63: {  	[tilespmem:$0x1F0] =	vst v1;
	v1 =	vld [tilespmem:$0x140]  }
0x64: {  	v2 =	vld.idx.msk [tilespmem:v2+s3+$0x0], $0xffff;
	_ =	sdelay $0x5  }
0x65: {  	[tilespmem:$0x200] =	vst v2;
	v2 =	vld [tilespmem:$0x150]  }
0x66: {  	v1 =	vld.idx.msk [tilespmem:v1+s3+$0x0], $0xffff;
	_ =	sdelay $0x5  }
0x67: {  	[tilespmem:$0x210] =	vst v1;
	v1 =	vld [tilespmem:$0x160]  }
0x68: {  	v2 =	vld.idx.msk [tilespmem:v2+s3+$0x0], $0xffff;
	_ =	sdelay $0x5  }
0x69: {  	[tilespmem:$0x220] =	vst v2;
	v2 =	vld [tilespmem:$0x170]  }
0x6a: {  	v1 =	vld.idx.msk [tilespmem:v1+s3+$0x0], $0xffff;
	_ =	sdelay $0x5  }
0x6b: {  	[tilespmem:$0x230] =	vst v1;
	v1 =	vld [tilespmem:$0x180]  }
0x6c: {  	v2 =	vld.idx.msk [tilespmem:v2+s3+$0x0], $0xffff;
	_ =	sdelay $0x5  }
0x6d: {  	[tilespmem:$0x240] =	vst v2;
	v2 =	vld [tilespmem:$0x190]  }
0x6e: {  	v1 =	vld.idx.msk [tilespmem:v1+s3+$0x0], $0xffff;
	_ =	sdelay $0x5  }
0x6f: {  	[tilespmem:$0x250] =	vst v1;
	v1 =	vld [tilespmem:$0x1A0]  }
0x70: {  	v2 =	vld.idx.msk [tilespmem:v2+s3+$0x0], $0xffff;
	_ =	sdelay $0x5  }
0x71: {  	[tilespmem:$0x260] =	vst v2;
	v2 =	vld [tilespmem:$0x1B0]  }
0x72: {  	v1 =	vld.idx.msk [tilespmem:v1+s3+$0x0], $0xffff;
	_ =	sdelay $0x5  }
0x73: {  	[tilespmem:$0x270] =	vst v1;
	v1 =	vld [tilespmem:$0x1C0]  }
0x74: {  	v2 =	vld.idx.msk [tilespmem:v2+s3+$0x0], $0xffff;
	_ =	sdelay $0x5  }
0x75: {  	[tilespmem:$0x280] =	vst v2  }
0x76: {  	v1 =	vld.idx.msk [tilespmem:v1+s3+$0x0], $0xffff;
	_ =	sdelay $0x5  }
0x77: {  	[tilespmem:$0x290] =	vst v1  }
0x78: {  	[tilespmem:s13], [sflag:$0x1] =	stream.indirect.gather [hbm4b:s2+s11], $0x180, s12, s11, $0xb8;
	[tilespmem:$0x13AA0] =	vst v63  }
0x79: {  	_ = 	snop  }
0x7a: {  	[tilespmem:s16], [sflag:$0x2] =	stream.indirect.gather [hbm4b:s2+s14], $0x180, s15, s14, $0xb8;
	[tilespmem:$0x13AA0] =	vst v63  }
0x7b: {  	_ =	swait.ge [sflag:s17], $0x9000  }
0x7c: {  	[sflag:s17] =	ssyncset.done $0x0  }
0x7d: {  	s25 =	sadd.s32 s24, s8;
	[sflag:s17] =	ssyncadd.s32 $0xFFFF7000  }
0x7e: {  	[hbm4b:s25+s3] =	stream.linear.scatter [tilespmem:s13], [sflag:$0x3], $0x9000, $0x38;
	[tilespmem:$0x13AA0] =	vst v63  }
0x7f: {  	_ =	swait.ge [sflag:s18], $0xA800  }
0x80: {  	[sflag:s18] =	ssyncset.done $0x0  }
0x81: {  	s24 =	sadd.s32 s24, s6;
	[sflag:s18] =	ssyncadd.s32 $0xFFFF5800  }
0x82: {  	[hbm4b:s24+s3] =	stream.linear.scatter [tilespmem:s16], [sflag:$0x3], $0x9C00, $0x38;
	[tilespmem:$0x13AA0] =	vst v63  }
.Ltmp0:
0x83: {  	_ =	swait.ge [sflag:s19], $0x9000;
	(pc) =	sbr.rel @p0 .LBB2_2-.Ltmp0, $4  }
0x84: {  	[sflag:s19] =	ssyncset.done $0x0  }
0x85: {  	[sflag:s19] =	ssyncadd.s32 $0xFFFF7000  }
0x86: {  	_ =	swait.ge [sflag:s19], $0x9C00  }
0x87: {  	[sflag:s19] =	ssyncset.done $0x0  }
0x88: {  	s20 =	sadd.s32 $0x1, s20  }
0x89: {  	p0 =	sne.s32 s20, s4  }
.Ltmp1:
0x8a: {  	_ = 	snop;
	(pc) =	sbr.rel @p0 .LBB2_1-.Ltmp1, $2  }
0x8b: {  	_ =	sdelay $0x2  }
0x8c: {  	[sflag:s19] =	ssyncadd.s32 $0xFFFF6400  }
0x8d: {  	_ =	sfence.sel $0x180000  }
0x8e: {  	[bflag:$0x0] =	sbarrier.arrive $0xFFFF  }
0x8f: {  	p0 =	sne.s32 s1, $0x0;
	_ =	strace $0x90000047  }
0x90: {  	s0 =	sadd.s32 @!p0 $0x100000, s0;
	[bflag:$0x2] =	sbarrier.arrive $0xFFFF  }
0x91: {  	[sflag:s0] =	ssyncadd.tile.s32 @!p0 $0x1;
	_ =	shalt  }
.Lfunc_end2:
_tile_overlayer_lowered:
.L_overlay_start_2:
0x92: {  	(tag) =	ssettag $0x2  }
0x93: {  	s0 =	rddreg [dreg:$0x0];
	s2 =	stileid.u32  }
0x94: {  	s1 =	rddreg [dreg:$0x1];
	p0 =	sne.s32 s2, $0x0  }
0x95: {  	s3 =	rddreg [dreg:$0x2];
	[bflag:$0x3] =	sbarrier.arrive $0xFFFF;
	s2 =	simm.s32 @!p0 $0x1C04  }
0x96: {  	[timem:s3], [sflag:s2] =	dma.local @!p0 [hbm:s0], s1  }
0x97: {  	s0 =	simm.s32 @!p0 $0x4  }
0x98: {  	_ =	swait.ge @!p0 [sflag:s0], s1  }
0x99: {  	s1 =	ssub.s32 @!p0 $0x0, s1;
	[sflag:s0] =	ssyncset.done @!p0 $0x0  }
0x9a: {  	[sflag:s0] =	ssyncadd.s32 @!p0 s1  }
0x9b: {  	[bflag:$0x3] =	sbarrier.arrive $0xFFFF  }
0x9c: {  	_ =	shalt  }

</sc_bundles>
